<compile_context>
chip_gen: v7x
topology: tpu7x:2x2x1
jax: 0.10.2.dev20260603
libtpu: 0.0.44.dev20260713+nightly
codegen_flags: <defaults>
</compile_context>

<pallas_src>
import functools
import math

import jax
import jax.numpy as jnp
from jax import lax
from jax.experimental import pallas as pl
from jax.experimental.pallas import tpu as pltpu
from jax.experimental.pallas import tpu_sc as plsc

TOP_K = 8
NEG = -1e30


def _nt_dot(a, b):
    return lax.dot_general(a, b, (((1,), (1,)), ((), ())),
                           preferred_element_type=jnp.float32)


def _proj_body(x_ref, wq_ref, bq_ref, wk_ref, bk_ref, q_ref, k_ref):
    q_ref[0] = _nt_dot(x_ref[0], wq_ref[...]) + bq_ref[...]
    k_ref[0] = _nt_dot(x_ref[0], wk_ref[...]) + bk_ref[...]


def _project(action_states, Wq, bq, Wk, bk):
    B, N, D = action_states.shape
    DQ = Wq.shape[0]
    return pl.pallas_call(
        _proj_body,
        grid=(B,),
        in_specs=[
            pl.BlockSpec((1, N, D), lambda b: (b, 0, 0)),
            pl.BlockSpec((DQ, D), lambda b: (0, 0)),
            pl.BlockSpec((1, DQ), lambda b: (0, 0)),
            pl.BlockSpec((DQ, D), lambda b: (0, 0)),
            pl.BlockSpec((1, DQ), lambda b: (0, 0)),
        ],
        out_specs=[
            pl.BlockSpec((1, N, DQ), lambda b: (b, 0, 0)),
            pl.BlockSpec((1, N, DQ), lambda b: (b, 0, 0)),
        ],
        out_shape=[
            jax.ShapeDtypeStruct((B, N, DQ), jnp.float32),
            jax.ShapeDtypeStruct((B, N, DQ), jnp.float32),
        ],
    )(action_states, Wq, bq.reshape(1, DQ), Wk, bk.reshape(1, DQ))


def _tc_body(q_ref, k_ref, vals_ref, idx_ref, *, scale):
    s = _nt_dot(q_ref[0], k_ref[0]) * (1.0 / scale)

    n = s.shape[1]
    iota = lax.broadcasted_iota(jnp.int32, s.shape, 1)
    w = s
    vals_l, idx_l = [], []
    for _ in range(TOP_K):
        mk = jnp.max(w, axis=1, keepdims=True)
        eq = w == mk
        ik = jnp.min(jnp.where(eq, iota, n), axis=1, keepdims=True)
        w = jnp.where(eq, NEG, w)
        vals_l.append(mk)
        idx_l.append(ik)
    vals8 = jnp.concatenate(vals_l, axis=1)
    idx8 = jnp.concatenate(idx_l, axis=1)
    e = jnp.exp(vals8 - vals8[:, :1])
    vals_ref[0] = e / jnp.sum(e, axis=1, keepdims=True)
    idx_ref[0] = idx8


def _tc_topk_compact(Q, K, scale, blk_r=512):
    B, N, DQ = Q.shape
    nb = N // blk_r
    body = functools.partial(_tc_body, scale=scale)
    vals, idx = pl.pallas_call(
        body,
        grid=(B, nb),
        in_specs=[
            pl.BlockSpec((1, blk_r, DQ), lambda b, j: (b, j, 0)),
            pl.BlockSpec((1, N, DQ), lambda b, j: (b, 0, 0)),
        ],
        out_specs=[
            pl.BlockSpec((1, blk_r, TOP_K), lambda b, j: (b, j, 0)),
            pl.BlockSpec((1, blk_r, TOP_K), lambda b, j: (b, j, 0)),
        ],
        out_shape=[
            jax.ShapeDtypeStruct((B, N, TOP_K), jnp.float32),
            jax.ShapeDtypeStruct((B, N, TOP_K), jnp.int32),
        ],
    )(Q, K)
    return vals, idx


def _sc_scatter(vals_flat, idx_flat, B, N):
    NC, NS = 2, 16
    NW = NC * NS
    n_rows = B * N
    octs_per_w = n_rows // 8 // NW
    mesh = plsc.VectorSubcoreMesh(core_axis_name="c", subcore_axis_name="s",
                                  num_cores=NC, num_subcores=NS)

    @functools.partial(
        pl.kernel, mesh=mesh,
        compiler_params=pltpu.CompilerParams(needs_layout_passes=False,
                                             use_tc_tiling_on_sc=True),
        out_type=jax.ShapeDtypeStruct((n_rows, N), jnp.float32),
        scratch_types=[
            pltpu.VMEM((octs_per_w * 64,), jnp.int32),
            pltpu.VMEM((octs_per_w * 64,), jnp.float32),
            pltpu.VMEM((8, N), jnp.float32),
            pltpu.SemaphoreType.DMA,
        ],
    )
    def k(vals_hbm, idx_hbm, out_hbm, idx_v, vals_v, buf, sem):
        wid = lax.axis_index("s") * NC + lax.axis_index("c")
        base = wid * octs_per_w * 64
        pltpu.sync_copy(idx_hbm.at[pl.ds(base, octs_per_w * 64)], idx_v)
        pltpu.sync_copy(vals_hbm.at[pl.ds(base, octs_per_w * 64)], vals_v)

        zero = jnp.zeros((16,), jnp.float32)

        def zbody(i, c):
            buf[i % 8, pl.ds((i // 8) * 16, 16)] = zero
            return c

        lax.fori_loop(0, 8 * (N // 16), zbody, 0)

        lane = lax.iota(jnp.int32, 16)
        rowpair = lane // 8
        oct0 = wid * octs_per_w

        def pbody(i, c):
            @pl.when(i >= 1)
            def _():
                for v in range(4):
                    pv = idx_v[pl.ds((i - 1) * 64 + v * 16, 16)]
                    plsc.store_scatter(buf, [rowpair + 2 * v, pv], zero)

            plsc.subcore_barrier()
            for v in range(4):
                iv = idx_v[pl.ds(i * 64 + v * 16, 16)]
                vv = vals_v[pl.ds(i * 64 + v * 16, 16)]
                plsc.store_scatter(buf, [rowpair + 2 * v, iv], vv)
            plsc.subcore_barrier()
            pltpu.async_copy(
                buf, out_hbm.at[pl.ds((oct0 + i) * 8, 8), :], sem).wait()
            return c

        lax.fori_loop(0, octs_per_w, pbody, 0)

    return k(vals_flat, idx_flat)


def kernel(action_states, Wq, bq, Wk, bk):
    B, N, _ = action_states.shape
    DQ = Wq.shape[0]
    Q, K = _project(action_states, Wq, bq, Wk, bk)
    vals, idx = _tc_topk_compact(Q, K, math.sqrt(DQ))
    out = _sc_scatter(vals.reshape(B * N * TOP_K), idx.reshape(B * N * TOP_K),
                      B, N)
    return out.reshape(B, N, N)

# --- scband reference (transcript-rebuilt; emitter-appended) ---
"""Pipeline reference for scband-dynamic-graph-6373731467945 (READ-ONLY COPY).

The authoritative reference and input builder live on the scoring server;
editing this copy changes nothing except your own understanding.
"""

import jax, jax.numpy as jnp
import numpy as np
import math

B, N, D = 2, 4096, 768
DQ = D // 4
TOP_K = 8


def setup_inputs(seed: int = 0) -> dict:
    key = jax.random.key(seed)
    k1, k2, k3, k4, k5 = jax.random.split(key, 5)
    action_states = jax.random.normal(k1, (B, N, D), dtype=jnp.float32)
    lim = 1.0 / math.sqrt(D)
    Wq = jax.random.uniform(k2, (DQ, D), dtype=jnp.float32, minval=-lim, maxval=lim)
    bq = jax.random.uniform(k3, (DQ,), dtype=jnp.float32, minval=-lim, maxval=lim)
    Wk = jax.random.uniform(k4, (DQ, D), dtype=jnp.float32, minval=-lim, maxval=lim)
    bk = jax.random.uniform(k5, (DQ,), dtype=jnp.float32, minval=-lim, maxval=lim)
    return {"action_states": action_states, "Wq": Wq, "bq": bq, "Wk": Wk, "bk": bk}


def reference(action_states, Wq, bq, Wk, bk):
    scale = math.sqrt(D // 4)
    Q = action_states @ Wq.T + bq  # (B, N, DQ)
    K = action_states @ Wk.T + bk  # (B, N, DQ)
    scores = jnp.einsum('bnd,bmd->bnm', Q, K) / scale  # (B, N, N)
    # top_k < N, so apply top-k masking
    topk_vals, topk_idx = jax.lax.top_k(scores, TOP_K)  # (B, N, TOP_K)
    bidx = jnp.arange(scores.shape[0])[:, None, None]
    nidx = jnp.arange(scores.shape[1])[None, :, None]
    mask = jnp.zeros_like(scores).at[bidx, nidx, topk_idx].set(1.0)
    scores = scores * mask + (1.0 - mask) * -1000000000.0
    adjacency = jax.nn.softmax(scores, axis=-1)
    return adjacency

if __name__ == "__main__":
    import jax
    _d = setup_inputs()
    print(jax.jit(kernel)(*tuple(_d.values())))

</pallas_src>

<mosaic_0001>
#map = affine_map<(d0, d1) -> (0)>
#map1 = affine_map<(d0, d1) -> (0, 0)>
module attributes {stable_mosaic.version = 14 : i64} {
  func.func @k(%arg0: i32, %arg1: i32, %arg2: memref<65536xf32, #tpu.memory_space<hbm>>, %arg3: memref<65536xi32, #tpu.memory_space<hbm>>, %arg4: memref<8192x4096xf32, #tpu.memory_space<hbm>>, %arg5: memref<2048xi32, #tpu.memory_space<vmem>>, %arg6: memref<2048xf32, #tpu.memory_space<vmem>>, %arg7: memref<8x4096xf32, #tpu.memory_space<vmem>>, %arg8: memref<!tpu.dma_semaphore, #tpu.memory_space<semaphore_mem>>) attributes {dimension_semantics = [#tpu.dimension_semantics<core_parallel>, #tpu.dimension_semantics<subcore_parallel>], iteration_bounds = array<i64: 2, 16>, scalar_prefetch = 0 : i64, scratch_operands = 4 : i64, tpu.core_type = #tpu.core_type<sc_vector_subcore>, window_params = [{transform_indices = #map}, {transform_indices = #map}, {transform_indices = #map1}]} {
    %mul3A = arith.constant 2 : i32
    %mul3A_0 = arith.muli %arg1, %mul3A : i32
    %add3A = arith.addi %mul3A_0, %arg0 : i32
    %mul3A_1 = arith.constant 32 : i32
    %mul3A_2 = arith.muli %add3A, %mul3A_1 : i32
    %mul3A_3 = arith.constant 64 : i32
    %mul3A_4 = arith.muli %mul3A_2, %mul3A_3 : i32
    "tpu.region"() ({
      %run_scoped3A = tpu.sem_alloc : memref<!tpu.dma_semaphore, #tpu.memory_space<semaphore_mem>>
      %dma_start3A = tpu.memref_slice %arg3[%mul3A_4] : memref<65536xi32, #tpu.memory_space<hbm>> -> memref<2048xi32, #tpu.memory_space<hbm>>
      %dma_start3A_42 = tpu.memref_slice %arg3[%mul3A_4] : memref<65536xi32, #tpu.memory_space<hbm>> -> memref<2048xi32, #tpu.memory_space<hbm>>
      tpu.enqueue_dma source(%dma_start3A_42 : memref<2048xi32, #tpu.memory_space<hbm>>) target(%arg5 : memref<2048xi32, #tpu.memory_space<vmem>>) target_semaphore(%run_scoped3A : memref<!tpu.dma_semaphore, #tpu.memory_space<semaphore_mem>>)
      %dma_wait3A = tpu.memref_slice %arg3[%mul3A_4] : memref<65536xi32, #tpu.memory_space<hbm>> -> memref<2048xi32, #tpu.memory_space<hbm>>
      %dma_wait3A_43 = tpu.memref_slice %arg3[%mul3A_4] : memref<65536xi32, #tpu.memory_space<hbm>> -> memref<2048xi32, #tpu.memory_space<hbm>>
      tpu.wait_dma2 semaphore(%run_scoped3A : memref<!tpu.dma_semaphore, #tpu.memory_space<semaphore_mem>>) src(%dma_wait3A_43 : memref<2048xi32, #tpu.memory_space<hbm>>) dst(%arg5 : memref<2048xi32, #tpu.memory_space<vmem>>)
      tpu.yield
    }) : () -> ()
    "tpu.region"() ({
      %run_scoped3A = tpu.sem_alloc : memref<!tpu.dma_semaphore, #tpu.memory_space<semaphore_mem>>
      %dma_start3A = tpu.memref_slice %arg2[%mul3A_4] : memref<65536xf32, #tpu.memory_space<hbm>> -> memref<2048xf32, #tpu.memory_space<hbm>>
      %dma_start3A_42 = tpu.memref_slice %arg2[%mul3A_4] : memref<65536xf32, #tpu.memory_space<hbm>> -> memref<2048xf32, #tpu.memory_space<hbm>>
      tpu.enqueue_dma source(%dma_start3A_42 : memref<2048xf32, #tpu.memory_space<hbm>>) target(%arg6 : memref<2048xf32, #tpu.memory_space<vmem>>) target_semaphore(%run_scoped3A : memref<!tpu.dma_semaphore, #tpu.memory_space<semaphore_mem>>)
      %dma_wait3A = tpu.memref_slice %arg2[%mul3A_4] : memref<65536xf32, #tpu.memory_space<hbm>> -> memref<2048xf32, #tpu.memory_space<hbm>>
      %dma_wait3A_43 = tpu.memref_slice %arg2[%mul3A_4] : memref<65536xf32, #tpu.memory_space<hbm>> -> memref<2048xf32, #tpu.memory_space<hbm>>
      tpu.wait_dma2 semaphore(%run_scoped3A : memref<!tpu.dma_semaphore, #tpu.memory_space<semaphore_mem>>) src(%dma_wait3A_43 : memref<2048xf32, #tpu.memory_space<hbm>>) dst(%arg6 : memref<2048xf32, #tpu.memory_space<vmem>>)
      tpu.yield
    }) : () -> ()
    %broadcast_in_dim3A = arith.constant 0.000000e+00 : f32
    %broadcast_in_dim3A_5 = vector.broadcast %broadcast_in_dim3A : f32 to vector<16xf32>
    %scan3A = arith.constant 0 : i32
    %scan3A_6 = arith.constant 0 : i32
    %scan3A_7 = arith.constant 2048 : i32
    %scan3A_8 = arith.addi %scan3A_6, %scan3A_7 : i32
    %scan3A_9 = arith.constant 1 : i32
    scf.for %scan3A_42 = %scan3A_6 to %scan3A_8 step %scan3A_9  : i32 {
      %jit3A_43 = arith.constant 8 : i32
      %eq3A = arith.constant 0 : i32
      %eq3A_44 = arith.cmpi eq, %jit3A_43, %eq3A : i32
      %jit3A_45 = arith.constant 1 : i32
      %select_n3A_46 = arith.select %eq3A_44, %jit3A_45, %jit3A_43 : i32
      %rem3A_47 = arith.remsi %scan3A_42, %select_n3A_46 : i32
      %ne3A_48 = arith.constant 0 : i32
      %ne3A_49 = arith.cmpi ne, %rem3A_47, %ne3A_48 : i32
      %lt3A = arith.constant 0 : i32
      %lt3A_50 = arith.cmpi slt, %rem3A_47, %lt3A : i32
      %lt3A_51 = arith.constant 0 : i32
      %lt3A_52 = arith.cmpi slt, %select_n3A_46, %lt3A_51 : i32
      %ne3A_53 = arith.xori %lt3A_50, %lt3A_52 : i1
      %and3A_54 = arith.andi %ne3A_53, %ne3A_49 : i1
      %add3A_55 = arith.addi %rem3A_47, %select_n3A_46 : i32
      %select_n3A_56 = arith.select %and3A_54, %add3A_55, %rem3A_47 : i32
      %jit3A_57 = arith.constant 8 : i32
      %div3A_58 = arith.divsi %scan3A_42, %jit3A_57 : i32
      %sign3A_59 = arith.constant 0 : i32
      %sign3A_60 = arith.cmpi sgt, %scan3A_42, %sign3A_59 : i32
      %sign3A_61 = arith.extui %sign3A_60 : i1 to i32
      %sign3A_62 = arith.constant 0 : i32
      %sign3A_63 = arith.cmpi slt, %scan3A_42, %sign3A_62 : i32
      %sign3A_64 = arith.extui %sign3A_63 : i1 to i32
      %sign3A_65 = arith.subi %sign3A_61, %sign3A_64 : i32
      %sign3A_66 = arith.constant 0 : i32
      %sign3A_67 = arith.cmpi sgt, %jit3A_57, %sign3A_66 : i32
      %sign3A_68 = arith.extui %sign3A_67 : i1 to i32
      %sign3A_69 = arith.constant 0 : i32
      %sign3A_70 = arith.cmpi slt, %jit3A_57, %sign3A_69 : i32
      %sign3A_71 = arith.extui %sign3A_70 : i1 to i32
      %sign3A_72 = arith.subi %sign3A_68, %sign3A_71 : i32
      %ne3A_73 = arith.cmpi ne, %sign3A_65, %sign3A_72 : i32
      %rem3A_74 = arith.remsi %scan3A_42, %jit3A_57 : i32
      %ne3A_75 = arith.constant 0 : i32
      %ne3A_76 = arith.cmpi ne, %rem3A_74, %ne3A_75 : i32
      %and3A_77 = arith.andi %ne3A_73, %ne3A_76 : i1
      %sub3A_78 = arith.constant 1 : i32
      %sub3A_79 = arith.subi %div3A_58, %sub3A_78 : i32
      %select_n3A_80 = arith.select %and3A_77, %sub3A_79, %div3A_58 : i32
      %mul3A_81 = arith.constant 16 : i32
      %mul3A_82 = arith.muli %select_n3A_80, %mul3A_81 : i32
      %swap3A = arith.index_cast %select_n3A_56 : i32 to index
      %swap3A_83 = arith.index_cast %mul3A_82 : i32 to index
      %swap3A_84 = tpu.vector_load %arg7[%swap3A, %swap3A_83] {strides = array<i32>} : memref<8x4096xf32, #tpu.memory_space<vmem>>, vector<16xf32>,
      tpu.vector_store %arg7[%swap3A, %swap3A_83], %broadcast_in_dim3A_5 {strides = array<i32>} : memref<8x4096xf32, #tpu.memory_space<vmem>>, vector<16xf32>,
    }
    %scan3A_10 = arith.constant 2048 : i32
    %iota3A = tpu.iota {dimensions = array<i32: 0>} : vector<16xi32>
    %jit3A = arith.constant 8 : i32
    %div3A = vector.broadcast %jit3A : i32 to vector<16xi32>
    %div3A_11 = arith.divsi %iota3A, %div3A : vector<16xi32>
    %sign3A = arith.constant 0 : i32
    %sign3A_12 = vector.broadcast %sign3A : i32 to vector<16xi32>
    %sign3A_13 = arith.cmpi sgt, %iota3A, %sign3A_12 : vector<16xi32>
    %sign3A_14 = arith.extui %sign3A_13 : vector<16xi1> to vector<16xi32>
    %sign3A_15 = arith.constant 0 : i32
    %sign3A_16 = vector.broadcast %sign3A_15 : i32 to vector<16xi32>
    %sign3A_17 = arith.cmpi slt, %iota3A, %sign3A_16 : vector<16xi32>
    %sign3A_18 = arith.extui %sign3A_17 : vector<16xi1> to vector<16xi32>
    %sign3A_19 = arith.subi %sign3A_14, %sign3A_18 : vector<16xi32>
    %sign3A_20 = arith.constant 0 : i32
    %sign3A_21 = arith.cmpi sgt, %jit3A, %sign3A_20 : i32
    %sign3A_22 = arith.extui %sign3A_21 : i1 to i32
    %sign3A_23 = arith.constant 0 : i32
    %sign3A_24 = arith.cmpi slt, %jit3A, %sign3A_23 : i32
    %sign3A_25 = arith.extui %sign3A_24 : i1 to i32
    %sign3A_26 = arith.subi %sign3A_22, %sign3A_25 : i32
    %ne3A = vector.broadcast %sign3A_26 : i32 to vector<16xi32>
    %ne3A_27 = arith.cmpi ne, %sign3A_19, %ne3A : vector<16xi32>
    %rem3A = vector.broadcast %jit3A : i32 to vector<16xi32>
    %rem3A_28 = arith.remsi %iota3A, %rem3A : vector<16xi32>
    %ne3A_29 = arith.constant 0 : i32
    %ne3A_30 = vector.broadcast %ne3A_29 : i32 to vector<16xi32>
    %ne3A_31 = arith.cmpi ne, %rem3A_28, %ne3A_30 : vector<16xi32>
    %and3A = arith.andi %ne3A_27, %ne3A_31 : vector<16xi1>
    %sub3A = arith.constant 1 : i32
    %sub3A_32 = vector.broadcast %sub3A : i32 to vector<16xi32>
    %sub3A_33 = arith.subi %div3A_11, %sub3A_32 : vector<16xi32>
    %select_n3A = arith.select %and3A, %sub3A_33, %div3A_11 : vector<16xi1>, vector<16xi32>
    %mul3A_34 = arith.constant 32 : i32
    %mul3A_35 = arith.muli %add3A, %mul3A_34 : i32
    %scan3A_36 = arith.constant 0 : i32
    %scan3A_37 = arith.constant 0 : i32
    %scan3A_38 = arith.constant 32 : i32
    %scan3A_39 = arith.addi %scan3A_37, %scan3A_38 : i32
    %scan3A_40 = arith.constant 1 : i32
    scf.for %scan3A_42 = %scan3A_37 to %scan3A_39 step %scan3A_40  : i32 {
      %ge3A = arith.constant 1 : i32
      %ge3A_43 = arith.cmpi sge, %scan3A_42, %ge3A : i32
      %convert_element_type3A = arith.extui %ge3A_43 : i1 to i32
      %cond3A = arith.constant 0 : i32
      %cond3A_44 = arith.cmpi ne, %convert_element_type3A, %cond3A : i32
      scf.if %cond3A_44 {
        %sub3A_114 = arith.constant 1 : i32
        %sub3A_115 = arith.subi %scan3A_42, %sub3A_114 : i32
        %mul3A_116 = arith.constant 64 : i32
        %mul3A_117 = arith.muli %sub3A_115, %mul3A_116 : i32
        %add3A_118 = arith.constant 0 : i32
        %add3A_119 = arith.addi %mul3A_117, %add3A_118 : i32
        %get3A_120 = arith.index_cast %add3A_119 : i32 to index
        %get3A_121 = tpu.vector_load %arg5[%get3A_120] {strides = array<i32>} : memref<2048xi32, #tpu.memory_space<vmem>>, vector<16xi32>,
        %add3A_122 = arith.constant 0 : i32
        %add3A_123 = vector.broadcast %add3A_122 : i32 to vector<16xi32>
        %add3A_124 = arith.addi %select_n3A, %add3A_123 : vector<16xi32>
        tpu.vector_store_idx %arg7[%add3A_124, %get3A_121], %broadcast_in_dim3A_5 : memref<8x4096xf32, #tpu.memory_space<vmem>>[vector<16xi32>, vector<16xi32>], vector<16xf32>,
        %sub3A_125 = arith.constant 1 : i32
        %sub3A_126 = arith.subi %scan3A_42, %sub3A_125 : i32
        %mul3A_127 = arith.constant 64 : i32
        %mul3A_128 = arith.muli %sub3A_126, %mul3A_127 : i32
        %add3A_129 = arith.constant 16 : i32
        %add3A_130 = arith.addi %mul3A_128, %add3A_129 : i32
        %get3A_131 = arith.index_cast %add3A_130 : i32 to index
        %get3A_132 = tpu.vector_load %arg5[%get3A_131] {strides = array<i32>} : memref<2048xi32, #tpu.memory_space<vmem>>, vector<16xi32>,
        %add3A_133 = arith.constant 2 : i32
        %add3A_134 = vector.broadcast %add3A_133 : i32 to vector<16xi32>
        %add3A_135 = arith.addi %select_n3A, %add3A_134 : vector<16xi32>
        tpu.vector_store_idx %arg7[%add3A_135, %get3A_132], %broadcast_in_dim3A_5 : memref<8x4096xf32, #tpu.memory_space<vmem>>[vector<16xi32>, vector<16xi32>], vector<16xf32>,
        %sub3A_136 = arith.constant 1 : i32
        %sub3A_137 = arith.subi %scan3A_42, %sub3A_136 : i32
        %mul3A_138 = arith.constant 64 : i32
        %mul3A_139 = arith.muli %sub3A_137, %mul3A_138 : i32
        %add3A_140 = arith.constant 32 : i32
        %add3A_141 = arith.addi %mul3A_139, %add3A_140 : i32
        %get3A_142 = arith.index_cast %add3A_141 : i32 to index
        %get3A_143 = tpu.vector_load %arg5[%get3A_142] {strides = array<i32>} : memref<2048xi32, #tpu.memory_space<vmem>>, vector<16xi32>,
        %add3A_144 = arith.constant 4 : i32
        %add3A_145 = vector.broadcast %add3A_144 : i32 to vector<16xi32>
        %add3A_146 = arith.addi %select_n3A, %add3A_145 : vector<16xi32>
        tpu.vector_store_idx %arg7[%add3A_146, %get3A_143], %broadcast_in_dim3A_5 : memref<8x4096xf32, #tpu.memory_space<vmem>>[vector<16xi32>, vector<16xi32>], vector<16xf32>,
        %sub3A_147 = arith.constant 1 : i32
        %sub3A_148 = arith.subi %scan3A_42, %sub3A_147 : i32
        %mul3A_149 = arith.constant 64 : i32
        %mul3A_150 = arith.muli %sub3A_148, %mul3A_149 : i32
        %add3A_151 = arith.constant 48 : i32
        %add3A_152 = arith.addi %mul3A_150, %add3A_151 : i32
        %get3A_153 = arith.index_cast %add3A_152 : i32 to index
        %get3A_154 = tpu.vector_load %arg5[%get3A_153] {strides = array<i32>} : memref<2048xi32, #tpu.memory_space<vmem>>, vector<16xi32>,
        %add3A_155 = arith.constant 6 : i32
        %add3A_156 = vector.broadcast %add3A_155 : i32 to vector<16xi32>
        %add3A_157 = arith.addi %select_n3A, %add3A_156 : vector<16xi32>
        tpu.vector_store_idx %arg7[%add3A_157, %get3A_154], %broadcast_in_dim3A_5 : memref<8x4096xf32, #tpu.memory_space<vmem>>[vector<16xi32>, vector<16xi32>], vector<16xf32>,
      } else {
      }
      %barrier3A = arith.constant 0 : index
      tpu.barrier barrier_id(%barrier3A)
      %mul3A_45 = arith.constant 64 : i32
      %mul3A_46 = arith.muli %scan3A_42, %mul3A_45 : i32
      %add3A_47 = arith.constant 0 : i32
      %add3A_48 = arith.addi %mul3A_46, %add3A_47 : i32
      %get3A = arith.index_cast %add3A_48 : i32 to index
      %get3A_49 = tpu.vector_load %arg5[%get3A] {strides = array<i32>} : memref<2048xi32, #tpu.memory_space<vmem>>, vector<16xi32>,
      %mul3A_50 = arith.constant 64 : i32
      %mul3A_51 = arith.muli %scan3A_42, %mul3A_50 : i32
      %add3A_52 = arith.constant 0 : i32
      %add3A_53 = arith.addi %mul3A_51, %add3A_52 : i32
      %get3A_54 = arith.index_cast %add3A_53 : i32 to index
      %get3A_55 = tpu.vector_load %arg6[%get3A_54] {strides = array<i32>} : memref<2048xf32, #tpu.memory_space<vmem>>, vector<16xf32>,
      %add3A_56 = arith.constant 0 : i32
      %add3A_57 = vector.broadcast %add3A_56 : i32 to vector<16xi32>
      %add3A_58 = arith.addi %select_n3A, %add3A_57 : vector<16xi32>
      tpu.vector_store_idx %arg7[%add3A_58, %get3A_49], %get3A_55 : memref<8x4096xf32, #tpu.memory_space<vmem>>[vector<16xi32>, vector<16xi32>], vector<16xf32>,
      %mul3A_59 = arith.constant 64 : i32
      %mul3A_60 = arith.muli %scan3A_42, %mul3A_59 : i32
      %add3A_61 = arith.constant 16 : i32
      %add3A_62 = arith.addi %mul3A_60, %add3A_61 : i32
      %get3A_63 = arith.index_cast %add3A_62 : i32 to index
      %get3A_64 = tpu.vector_load %arg5[%get3A_63] {strides = array<i32>} : memref<2048xi32, #tpu.memory_space<vmem>>, vector<16xi32>,
      %mul3A_65 = arith.constant 64 : i32
      %mul3A_66 = arith.muli %scan3A_42, %mul3A_65 : i32
      %add3A_67 = arith.constant 16 : i32
      %add3A_68 = arith.addi %mul3A_66, %add3A_67 : i32
      %get3A_69 = arith.index_cast %add3A_68 : i32 to index
      %get3A_70 = tpu.vector_load %arg6[%get3A_69] {strides = array<i32>} : memref<2048xf32, #tpu.memory_space<vmem>>, vector<16xf32>,
      %add3A_71 = arith.constant 2 : i32
      %add3A_72 = vector.broadcast %add3A_71 : i32 to vector<16xi32>
      %add3A_73 = arith.addi %select_n3A, %add3A_72 : vector<16xi32>
      tpu.vector_store_idx %arg7[%add3A_73, %get3A_64], %get3A_70 : memref<8x4096xf32, #tpu.memory_space<vmem>>[vector<16xi32>, vector<16xi32>], vector<16xf32>,
      %mul3A_74 = arith.constant 64 : i32
      %mul3A_75 = arith.muli %scan3A_42, %mul3A_74 : i32
      %add3A_76 = arith.constant 32 : i32
      %add3A_77 = arith.addi %mul3A_75, %add3A_76 : i32
      %get3A_78 = arith.index_cast %add3A_77 : i32 to index
      %get3A_79 = tpu.vector_load %arg5[%get3A_78] {strides = array<i32>} : memref<2048xi32, #tpu.memory_space<vmem>>, vector<16xi32>,
      %mul3A_80 = arith.constant 64 : i32
      %mul3A_81 = arith.muli %scan3A_42, %mul3A_80 : i32
      %add3A_82 = arith.constant 32 : i32
      %add3A_83 = arith.addi %mul3A_81, %add3A_82 : i32
      %get3A_84 = arith.index_cast %add3A_83 : i32 to index
      %get3A_85 = tpu.vector_load %arg6[%get3A_84] {strides = array<i32>} : memref<2048xf32, #tpu.memory_space<vmem>>, vector<16xf32>,
      %add3A_86 = arith.constant 4 : i32
      %add3A_87 = vector.broadcast %add3A_86 : i32 to vector<16xi32>
      %add3A_88 = arith.addi %select_n3A, %add3A_87 : vector<16xi32>
      tpu.vector_store_idx %arg7[%add3A_88, %get3A_79], %get3A_85 : memref<8x4096xf32, #tpu.memory_space<vmem>>[vector<16xi32>, vector<16xi32>], vector<16xf32>,
      %mul3A_89 = arith.constant 64 : i32
      %mul3A_90 = arith.muli %scan3A_42, %mul3A_89 : i32
      %add3A_91 = arith.constant 48 : i32
      %add3A_92 = arith.addi %mul3A_90, %add3A_91 : i32
      %get3A_93 = arith.index_cast %add3A_92 : i32 to index
      %get3A_94 = tpu.vector_load %arg5[%get3A_93] {strides = array<i32>} : memref<2048xi32, #tpu.memory_space<vmem>>, vector<16xi32>,
      %mul3A_95 = arith.constant 64 : i32
      %mul3A_96 = arith.muli %scan3A_42, %mul3A_95 : i32
      %add3A_97 = arith.constant 48 : i32
      %add3A_98 = arith.addi %mul3A_96, %add3A_97 : i32
      %get3A_99 = arith.index_cast %add3A_98 : i32 to index
      %get3A_100 = tpu.vector_load %arg6[%get3A_99] {strides = array<i32>} : memref<2048xf32, #tpu.memory_space<vmem>>, vector<16xf32>,
      %add3A_101 = arith.constant 6 : i32
      %add3A_102 = vector.broadcast %add3A_101 : i32 to vector<16xi32>
      %add3A_103 = arith.addi %select_n3A, %add3A_102 : vector<16xi32>
      tpu.vector_store_idx %arg7[%add3A_103, %get3A_94], %get3A_100 : memref<8x4096xf32, #tpu.memory_space<vmem>>[vector<16xi32>, vector<16xi32>], vector<16xf32>,
      %barrier3A_104 = arith.constant 0 : index
      tpu.barrier barrier_id(%barrier3A_104)
      %add3A_105 = arith.addi %mul3A_35, %scan3A_42 : i32
      %mul3A_106 = arith.constant 8 : i32
      %mul3A_107 = arith.muli %add3A_105, %mul3A_106 : i32
      %dma_start3A = arith.constant 0 : i32
      %dma_start3A_108 = tpu.memref_slice %arg4[%mul3A_107, %dma_start3A] : memref<8192x4096xf32, #tpu.memory_space<hbm>> -> memref<8x4096xf32, #tpu.memory_space<hbm>>
      %dma_start3A_109 = arith.constant 0 : i32
      %dma_start3A_110 = tpu.memref_slice %arg4[%mul3A_107, %dma_start3A_109] : memref<8192x4096xf32, #tpu.memory_space<hbm>> -> memref<8x4096xf32, #tpu.memory_space<hbm>>
      tpu.enqueue_dma source(%arg7 : memref<8x4096xf32, #tpu.memory_space<vmem>>) target(%dma_start3A_110 : memref<8x4096xf32, #tpu.memory_space<hbm>>) target_semaphore(%arg8 : memref<!tpu.dma_semaphore, #tpu.memory_space<semaphore_mem>>)
      %dma_wait3A = arith.constant 0 : i32
      %dma_wait3A_111 = tpu.memref_slice %arg4[%mul3A_107, %dma_wait3A] : memref<8192x4096xf32, #tpu.memory_space<hbm>> -> memref<8x4096xf32, #tpu.memory_space<hbm>>
      %dma_wait3A_112 = arith.constant 0 : i32
      %dma_wait3A_113 = tpu.memref_slice %arg4[%mul3A_107, %dma_wait3A_112] : memref<8192x4096xf32, #tpu.memory_space<hbm>> -> memref<8x4096xf32, #tpu.memory_space<hbm>>
      tpu.wait_dma2 semaphore(%arg8 : memref<!tpu.dma_semaphore, #tpu.memory_space<semaphore_mem>>) src(%arg7 : memref<8x4096xf32, #tpu.memory_space<vmem>>) dst(%dma_wait3A_113 : memref<8x4096xf32, #tpu.memory_space<hbm>>)
    }
    %scan3A_41 = arith.constant 32 : i32
    return
  }
}

module attributes {stable_mosaic.version = 14 : i64} {
  func.func @_proj_body(%arg0: i32, %arg1: memref<1x4096x768xf32, #tpu.memory_space<vmem>>, %arg2: memref<192x768xf32, #tpu.memory_space<vmem>>, %arg3: memref<1x192xf32, #tpu.memory_space<vmem>>, %arg4: memref<192x768xf32, #tpu.memory_space<vmem>>, %arg5: memref<1x192xf32, #tpu.memory_space<vmem>>, %arg6: memref<1x4096x192xf32, #tpu.memory_space<vmem>>, %arg7: memref<1x4096x192xf32, #tpu.memory_space<vmem>>) attributes {dimension_semantics = [#tpu.dimension_semantics<arbitrary>], iteration_bounds = array<i64: 2>, scalar_prefetch = 0 : i64, scratch_operands = 0 : i64, tpu.core_type = #tpu.core_type<tc>, window_params = [{transform_indices = @transform_0, window_bounds = array<i64: 1, 4096, 768>}, {pipeline_mode = #tpu.pipeline_mode<synchronous>, transform_indices = @transform_1, window_bounds = array<i64: 192, 768>}, {pipeline_mode = #tpu.pipeline_mode<synchronous>, transform_indices = @transform_2, window_bounds = array<i64: 1, 192>}, {pipeline_mode = #tpu.pipeline_mode<synchronous>, transform_indices = @transform_3, window_bounds = array<i64: 192, 768>}, {pipeline_mode = #tpu.pipeline_mode<synchronous>, transform_indices = @transform_4, window_bounds = array<i64: 1, 192>}, {transform_indices = @transform_5, window_bounds = array<i64: 1, 4096, 192>}, {transform_indices = @transform_6, window_bounds = array<i64: 1, 4096, 192>}]} {
    %get3A = arith.constant 0 : index
    %get3A_0 = arith.constant 0 : index
    %get3A_1 = arith.constant 0 : index
    %get3A_2 = vector.load %arg1[%get3A, %get3A_0, %get3A_1] : memref<1x4096x768xf32, #tpu.memory_space<vmem>>, vector<1x4096x768xf32>
    %get3A_3 = vector.shape_cast %get3A_2 : vector<1x4096x768xf32> to vector<4096x768xf32>
    %get3A_4 = arith.constant 0 : index
    %get3A_5 = arith.constant 0 : index
    %get3A_6 = vector.load %arg2[%get3A_4, %get3A_5] : memref<192x768xf32, #tpu.memory_space<vmem>>, vector<192x768xf32>
    %dot_general3A = arith.constant dense<0.000000e+00> : vector<4096x192xf32>
    %dot_general3A_7 = tpu.matmul %get3A_3, %get3A_6, %dot_general3A {dimension_numbers = #tpu.dot_dimension_numbers<[1], [1], [0], [0], [0, 0, 1, 0], [], []>, transpose_lhs_hint = false} : vector<4096x768xf32>, vector<192x768xf32>, vector<4096x192xf32> -> vector<4096x192xf32>
    %get3A_8 = arith.constant 0 : index
    %get3A_9 = arith.constant 0 : index
    %get3A_10 = vector.load %arg3[%get3A_8, %get3A_9] : memref<1x192xf32, #tpu.memory_space<vmem>>, vector<1x192xf32>
    %add3A = vector.broadcast %get3A_10 : vector<1x192xf32> to vector<4096x192xf32>
    %add3A_11 = arith.addf %dot_general3A_7, %add3A : vector<4096x192xf32>
    %swap3A = arith.constant 0 : index
    %swap3A_12 = arith.constant 0 : index
    %swap3A_13 = arith.constant 0 : index
    %swap3A_14 = vector.load %arg6[%swap3A, %swap3A_12, %swap3A_13] : memref<1x4096x192xf32, #tpu.memory_space<vmem>>, vector<1x4096x192xf32>
    %swap3A_15 = vector.shape_cast %swap3A_14 : vector<1x4096x192xf32> to vector<4096x192xf32>
    %swap3A_16 = vector.shape_cast %add3A_11 : vector<4096x192xf32> to vector<1x4096x192xf32>
    tpu.vector_store %arg6[%swap3A, %swap3A_12, %swap3A_13], %swap3A_16 {strides = array<i32>} : memref<1x4096x192xf32, #tpu.memory_space<vmem>>, vector<1x4096x192xf32>,
    %get3A_17 = arith.constant 0 : index
    %get3A_18 = arith.constant 0 : index
    %get3A_19 = arith.constant 0 : index
    %get3A_20 = vector.load %arg1[%get3A_17, %get3A_18, %get3A_19] : memref<1x4096x768xf32, #tpu.memory_space<vmem>>, vector<1x4096x768xf32>
    %get3A_21 = vector.shape_cast %get3A_20 : vector<1x4096x768xf32> to vector<4096x768xf32>
    %get3A_22 = arith.constant 0 : index
    %get3A_23 = arith.constant 0 : index
    %get3A_24 = vector.load %arg4[%get3A_22, %get3A_23] : memref<192x768xf32, #tpu.memory_space<vmem>>, vector<192x768xf32>
    %dot_general3A_25 = arith.constant dense<0.000000e+00> : vector<4096x192xf32>
    %dot_general3A_26 = tpu.matmul %get3A_21, %get3A_24, %dot_general3A_25 {dimension_numbers = #tpu.dot_dimension_numbers<[1], [1], [0], [0], [0, 0, 1, 0], [], []>, transpose_lhs_hint = false} : vector<4096x768xf32>, vector<192x768xf32>, vector<4096x192xf32> -> vector<4096x192xf32>
    %get3A_27 = arith.constant 0 : index
    %get3A_28 = arith.constant 0 : index
    %get3A_29 = vector.load %arg5[%get3A_27, %get3A_28] : memref<1x192xf32, #tpu.memory_space<vmem>>, vector<1x192xf32>
    %add3A_30 = vector.broadcast %get3A_29 : vector<1x192xf32> to vector<4096x192xf32>
    %add3A_31 = arith.addf %dot_general3A_26, %add3A_30 : vector<4096x192xf32>
    %swap3A_32 = arith.constant 0 : index
    %swap3A_33 = arith.constant 0 : index
    %swap3A_34 = arith.constant 0 : index
    %swap3A_35 = vector.load %arg7[%swap3A_32, %swap3A_33, %swap3A_34] : memref<1x4096x192xf32, #tpu.memory_space<vmem>>, vector<1x4096x192xf32>
    %swap3A_36 = vector.shape_cast %swap3A_35 : vector<1x4096x192xf32> to vector<4096x192xf32>
    %swap3A_37 = vector.shape_cast %add3A_31 : vector<4096x192xf32> to vector<1x4096x192xf32>
    tpu.vector_store %arg7[%swap3A_32, %swap3A_33, %swap3A_34], %swap3A_37 {strides = array<i32>} : memref<1x4096x192xf32, #tpu.memory_space<vmem>>, vector<1x4096x192xf32>,
    return
  }
  func.func @transform_0(%arg0: i32) -> (i32, i32, i32) {
    %c0_i32 = arith.constant 0 : i32
    %c0_i32_0 = arith.constant 0 : i32
    %c0_i32_1 = arith.constant 0 : i32
    return %arg0, %c0_i32, %c0_i32_0 : i32, i32, i32
  }
  func.func @transform_1(%arg0: i32) -> (i32, i32) {
    %c0_i32 = arith.constant 0 : i32
    %c0_i32_0 = arith.constant 0 : i32
    %c0_i32_1 = arith.constant 0 : i32
    return %c0_i32, %c0_i32_0 : i32, i32
  }
  func.func @transform_2(%arg0: i32) -> (i32, i32) {
    %c0_i32 = arith.constant 0 : i32
    %c0_i32_0 = arith.constant 0 : i32
    %c0_i32_1 = arith.constant 0 : i32
    return %c0_i32, %c0_i32_0 : i32, i32
  }
  func.func @transform_3(%arg0: i32) -> (i32, i32) {
    %c0_i32 = arith.constant 0 : i32
    %c0_i32_0 = arith.constant 0 : i32
    %c0_i32_1 = arith.constant 0 : i32
    return %c0_i32, %c0_i32_0 : i32, i32
  }
  func.func @transform_4(%arg0: i32) -> (i32, i32) {
    %c0_i32 = arith.constant 0 : i32
    %c0_i32_0 = arith.constant 0 : i32
    %c0_i32_1 = arith.constant 0 : i32
    return %c0_i32, %c0_i32_0 : i32, i32
  }
  func.func @transform_5(%arg0: i32) -> (i32, i32, i32) {
    %c0_i32 = arith.constant 0 : i32
    %c0_i32_0 = arith.constant 0 : i32
    %c0_i32_1 = arith.constant 0 : i32
    return %arg0, %c0_i32, %c0_i32_0 : i32, i32, i32
  }
  func.func @transform_6(%arg0: i32) -> (i32, i32, i32) {
    %c0_i32 = arith.constant 0 : i32
    %c0_i32_0 = arith.constant 0 : i32
    %c0_i32_1 = arith.constant 0 : i32
    return %arg0, %c0_i32, %c0_i32_0 : i32, i32, i32
  }
}

module attributes {stable_mosaic.version = 14 : i64} {
  func.func @_tc_body(%arg0: i32, %arg1: i32, %arg2: memref<1x512x192xf32, #tpu.memory_space<vmem>>, %arg3: memref<1x4096x192xf32, #tpu.memory_space<vmem>>, %arg4: memref<1x512x8xf32, #tpu.memory_space<vmem>>, %arg5: memref<1x512x8xi32, #tpu.memory_space<vmem>>) attributes {dimension_semantics = [#tpu.dimension_semantics<arbitrary>, #tpu.dimension_semantics<arbitrary>], iteration_bounds = array<i64: 2, 8>, scalar_prefetch = 0 : i64, scratch_operands = 0 : i64, tpu.core_type = #tpu.core_type<tc>, window_params = [{transform_indices = @transform_0, window_bounds = array<i64: 1, 512, 192>}, {transform_indices = @transform_1, window_bounds = array<i64: 1, 4096, 192>}, {transform_indices = @transform_2, window_bounds = array<i64: 1, 512, 8>}, {transform_indices = @transform_3, window_bounds = array<i64: 1, 512, 8>}]} {
    %get3A = arith.constant 0 : index
    %get3A_0 = arith.constant 0 : index
    %get3A_1 = arith.constant 0 : index
    %get3A_2 = vector.load %arg2[%get3A, %get3A_0, %get3A_1] : memref<1x512x192xf32, #tpu.memory_space<vmem>>, vector<1x512x192xf32>
    %get3A_3 = vector.shape_cast %get3A_2 : vector<1x512x192xf32> to vector<512x192xf32>
    %get3A_4 = arith.constant 0 : index
    %get3A_5 = arith.constant 0 : index
    %get3A_6 = arith.constant 0 : index
    %get3A_7 = vector.load %arg3[%get3A_4, %get3A_5, %get3A_6] : memref<1x4096x192xf32, #tpu.memory_space<vmem>>, vector<1x4096x192xf32>
    %get3A_8 = vector.shape_cast %get3A_7 : vector<1x4096x192xf32> to vector<4096x192xf32>
    %dot_general3A = arith.constant dense<0.000000e+00> : vector<512x4096xf32>
    %dot_general3A_9 = tpu.matmul %get3A_3, %get3A_8, %dot_general3A {dimension_numbers = #tpu.dot_dimension_numbers<[1], [1], [0], [0], [0, 0, 1, 0], [], []>, transpose_lhs_hint = false} : vector<512x192xf32>, vector<4096x192xf32>, vector<512x4096xf32> -> vector<512x4096xf32>
    %mul3A = arith.constant 0.0721687824 : f32
    %mul3A_10 = vector.broadcast %mul3A : f32 to vector<512x4096xf32>
    %mul3A_11 = arith.mulf %dot_general3A_9, %mul3A_10 : vector<512x4096xf32>
    %iota3A = tpu.iota {dimensions = array<i32: 1>} : vector<512x4096xi32>
    %reduce_max3A = arith.constant dense<0xFF800000> : vector<512xf32>
    %reduce_max3A_12 = vector.multi_reduction <maximumf>, %mul3A_11, %reduce_max3A [1] : vector<512x4096xf32> to vector<512xf32>
    %broadcast_in_dim3A = vector.shape_cast %reduce_max3A_12 : vector<512xf32> to vector<512x1xf32>
    %eq3A = vector.broadcast %broadcast_in_dim3A : vector<512x1xf32> to vector<512x4096xf32>
    %eq3A_13 = arith.cmpf oeq, %mul3A_11, %eq3A : vector<512x4096xf32>
    %jit3A = arith.constant 4096 : i32
    %broadcast_in_dim3A_14 = vector.broadcast %jit3A : i32 to vector<512x4096xi32>
    %select_n3A = arith.select %eq3A_13, %iota3A, %broadcast_in_dim3A_14 : vector<512x4096xi1>, vector<512x4096xi32>
    %reduce_min3A = arith.constant dense<2147483647> : vector<512xi32>
    %reduce_min3A_15 = vector.multi_reduction <minsi>, %select_n3A, %reduce_min3A [1] : vector<512x4096xi32> to vector<512xi32>
    %broadcast_in_dim3A_16 = vector.shape_cast %reduce_min3A_15 : vector<512xi32> to vector<512x1xi32>
    %jit3A_17 = arith.constant -1.000000e+30 : f32
    %broadcast_in_dim3A_18 = vector.broadcast %jit3A_17 : f32 to vector<512x4096xf32>
    %select_n3A_19 = arith.select %eq3A_13, %broadcast_in_dim3A_18, %mul3A_11 : vector<512x4096xi1>, vector<512x4096xf32>
    %reduce_max3A_20 = arith.constant dense<0xFF800000> : vector<512xf32>
    %reduce_max3A_21 = vector.multi_reduction <maximumf>, %select_n3A_19, %reduce_max3A_20 [1] : vector<512x4096xf32> to vector<512xf32>
    %broadcast_in_dim3A_22 = vector.shape_cast %reduce_max3A_21 : vector<512xf32> to vector<512x1xf32>
    %eq3A_23 = vector.broadcast %broadcast_in_dim3A_22 : vector<512x1xf32> to vector<512x4096xf32>
    %eq3A_24 = arith.cmpf oeq, %select_n3A_19, %eq3A_23 : vector<512x4096xf32>
    %jit3A_25 = arith.constant 4096 : i32
    %broadcast_in_dim3A_26 = vector.broadcast %jit3A_25 : i32 to vector<512x4096xi32>
    %select_n3A_27 = arith.select %eq3A_24, %iota3A, %broadcast_in_dim3A_26 : vector<512x4096xi1>, vector<512x4096xi32>
    %reduce_min3A_28 = arith.constant dense<2147483647> : vector<512xi32>
    %reduce_min3A_29 = vector.multi_reduction <minsi>, %select_n3A_27, %reduce_min3A_28 [1] : vector<512x4096xi32> to vector<512xi32>
    %broadcast_in_dim3A_30 = vector.shape_cast %reduce_min3A_29 : vector<512xi32> to vector<512x1xi32>
    %jit3A_31 = arith.constant -1.000000e+30 : f32
    %broadcast_in_dim3A_32 = vector.broadcast %jit3A_31 : f32 to vector<512x4096xf32>
    %select_n3A_33 = arith.select %eq3A_24, %broadcast_in_dim3A_32, %select_n3A_19 : vector<512x4096xi1>, vector<512x4096xf32>
    %reduce_max3A_34 = arith.constant dense<0xFF800000> : vector<512xf32>
    %reduce_max3A_35 = vector.multi_reduction <maximumf>, %select_n3A_33, %reduce_max3A_34 [1] : vector<512x4096xf32> to vector<512xf32>
    %broadcast_in_dim3A_36 = vector.shape_cast %reduce_max3A_35 : vector<512xf32> to vector<512x1xf32>
    %eq3A_37 = vector.broadcast %broadcast_in_dim3A_36 : vector<512x1xf32> to vector<512x4096xf32>
    %eq3A_38 = arith.cmpf oeq, %select_n3A_33, %eq3A_37 : vector<512x4096xf32>
    %jit3A_39 = arith.constant 4096 : i32
    %broadcast_in_dim3A_40 = vector.broadcast %jit3A_39 : i32 to vector<512x4096xi32>
    %select_n3A_41 = arith.select %eq3A_38, %iota3A, %broadcast_in_dim3A_40 : vector<512x4096xi1>, vector<512x4096xi32>
    %reduce_min3A_42 = arith.constant dense<2147483647> : vector<512xi32>
    %reduce_min3A_43 = vector.multi_reduction <minsi>, %select_n3A_41, %reduce_min3A_42 [1] : vector<512x4096xi32> to vector<512xi32>
    %broadcast_in_dim3A_44 = vector.shape_cast %reduce_min3A_43 : vector<512xi32> to vector<512x1xi32>
    %jit3A_45 = arith.constant -1.000000e+30 : f32
    %broadcast_in_dim3A_46 = vector.broadcast %jit3A_45 : f32 to vector<512x4096xf32>
    %select_n3A_47 = arith.select %eq3A_38, %broadcast_in_dim3A_46, %select_n3A_33 : vector<512x4096xi1>, vector<512x4096xf32>
    %reduce_max3A_48 = arith.constant dense<0xFF800000> : vector<512xf32>
    %reduce_max3A_49 = vector.multi_reduction <maximumf>, %select_n3A_47, %reduce_max3A_48 [1] : vector<512x4096xf32> to vector<512xf32>
    %broadcast_in_dim3A_50 = vector.shape_cast %reduce_max3A_49 : vector<512xf32> to vector<512x1xf32>
    %eq3A_51 = vector.broadcast %broadcast_in_dim3A_50 : vector<512x1xf32> to vector<512x4096xf32>
    %eq3A_52 = arith.cmpf oeq, %select_n3A_47, %eq3A_51 : vector<512x4096xf32>
    %jit3A_53 = arith.constant 4096 : i32
    %broadcast_in_dim3A_54 = vector.broadcast %jit3A_53 : i32 to vector<512x4096xi32>
    %select_n3A_55 = arith.select %eq3A_52, %iota3A, %broadcast_in_dim3A_54 : vector<512x4096xi1>, vector<512x4096xi32>
    %reduce_min3A_56 = arith.constant dense<2147483647> : vector<512xi32>
    %reduce_min3A_57 = vector.multi_reduction <minsi>, %select_n3A_55, %reduce_min3A_56 [1] : vector<512x4096xi32> to vector<512xi32>
    %broadcast_in_dim3A_58 = vector.shape_cast %reduce_min3A_57 : vector<512xi32> to vector<512x1xi32>
    %jit3A_59 = arith.constant -1.000000e+30 : f32
    %broadcast_in_dim3A_60 = vector.broadcast %jit3A_59 : f32 to vector<512x4096xf32>
    %select_n3A_61 = arith.select %eq3A_52, %broadcast_in_dim3A_60, %select_n3A_47 : vector<512x4096xi1>, vector<512x4096xf32>
    %reduce_max3A_62 = arith.constant dense<0xFF800000> : vector<512xf32>
    %reduce_max3A_63 = vector.multi_reduction <maximumf>, %select_n3A_61, %reduce_max3A_62 [1] : vector<512x4096xf32> to vector<512xf32>
    %broadcast_in_dim3A_64 = vector.shape_cast %reduce_max3A_63 : vector<512xf32> to vector<512x1xf32>
    %eq3A_65 = vector.broadcast %broadcast_in_dim3A_64 : vector<512x1xf32> to vector<512x4096xf32>
    %eq3A_66 = arith.cmpf oeq, %select_n3A_61, %eq3A_65 : vector<512x4096xf32>
    %jit3A_67 = arith.constant 4096 : i32
    %broadcast_in_dim3A_68 = vector.broadcast %jit3A_67 : i32 to vector<512x4096xi32>
    %select_n3A_69 = arith.select %eq3A_66, %iota3A, %broadcast_in_dim3A_68 : vector<512x4096xi1>, vector<512x4096xi32>
    %reduce_min3A_70 = arith.constant dense<2147483647> : vector<512xi32>
    %reduce_min3A_71 = vector.multi_reduction <minsi>, %select_n3A_69, %reduce_min3A_70 [1] : vector<512x4096xi32> to vector<512xi32>
    %broadcast_in_dim3A_72 = vector.shape_cast %reduce_min3A_71 : vector<512xi32> to vector<512x1xi32>
    %jit3A_73 = arith.constant -1.000000e+30 : f32
    %broadcast_in_dim3A_74 = vector.broadcast %jit3A_73 : f32 to vector<512x4096xf32>
    %select_n3A_75 = arith.select %eq3A_66, %broadcast_in_dim3A_74, %select_n3A_61 : vector<512x4096xi1>, vector<512x4096xf32>
    %reduce_max3A_76 = arith.constant dense<0xFF800000> : vector<512xf32>
    %reduce_max3A_77 = vector.multi_reduction <maximumf>, %select_n3A_75, %reduce_max3A_76 [1] : vector<512x4096xf32> to vector<512xf32>
    %broadcast_in_dim3A_78 = vector.shape_cast %reduce_max3A_77 : vector<512xf32> to vector<512x1xf32>
    %eq3A_79 = vector.broadcast %broadcast_in_dim3A_78 : vector<512x1xf32> to vector<512x4096xf32>
    %eq3A_80 = arith.cmpf oeq, %select_n3A_75, %eq3A_79 : vector<512x4096xf32>
    %jit3A_81 = arith.constant 4096 : i32
    %broadcast_in_dim3A_82 = vector.broadcast %jit3A_81 : i32 to vector<512x4096xi32>
    %select_n3A_83 = arith.select %eq3A_80, %iota3A, %broadcast_in_dim3A_82 : vector<512x4096xi1>, vector<512x4096xi32>
    %reduce_min3A_84 = arith.constant dense<2147483647> : vector<512xi32>
    %reduce_min3A_85 = vector.multi_reduction <minsi>, %select_n3A_83, %reduce_min3A_84 [1] : vector<512x4096xi32> to vector<512xi32>
    %broadcast_in_dim3A_86 = vector.shape_cast %reduce_min3A_85 : vector<512xi32> to vector<512x1xi32>
    %jit3A_87 = arith.constant -1.000000e+30 : f32
    %broadcast_in_dim3A_88 = vector.broadcast %jit3A_87 : f32 to vector<512x4096xf32>
    %select_n3A_89 = arith.select %eq3A_80, %broadcast_in_dim3A_88, %select_n3A_75 : vector<512x4096xi1>, vector<512x4096xf32>
    %reduce_max3A_90 = arith.constant dense<0xFF800000> : vector<512xf32>
    %reduce_max3A_91 = vector.multi_reduction <maximumf>, %select_n3A_89, %reduce_max3A_90 [1] : vector<512x4096xf32> to vector<512xf32>
    %broadcast_in_dim3A_92 = vector.shape_cast %reduce_max3A_91 : vector<512xf32> to vector<512x1xf32>
    %eq3A_93 = vector.broadcast %broadcast_in_dim3A_92 : vector<512x1xf32> to vector<512x4096xf32>
    %eq3A_94 = arith.cmpf oeq, %select_n3A_89, %eq3A_93 : vector<512x4096xf32>
    %jit3A_95 = arith.constant 4096 : i32
    %broadcast_in_dim3A_96 = vector.broadcast %jit3A_95 : i32 to vector<512x4096xi32>
    %select_n3A_97 = arith.select %eq3A_94, %iota3A, %broadcast_in_dim3A_96 : vector<512x4096xi1>, vector<512x4096xi32>
    %reduce_min3A_98 = arith.constant dense<2147483647> : vector<512xi32>
    %reduce_min3A_99 = vector.multi_reduction <minsi>, %select_n3A_97, %reduce_min3A_98 [1] : vector<512x4096xi32> to vector<512xi32>
    %broadcast_in_dim3A_100 = vector.shape_cast %reduce_min3A_99 : vector<512xi32> to vector<512x1xi32>
    %jit3A_101 = arith.constant -1.000000e+30 : f32
    %broadcast_in_dim3A_102 = vector.broadcast %jit3A_101 : f32 to vector<512x4096xf32>
    %select_n3A_103 = arith.select %eq3A_94, %broadcast_in_dim3A_102, %select_n3A_89 : vector<512x4096xi1>, vector<512x4096xf32>
    %reduce_max3A_104 = arith.constant dense<0xFF800000> : vector<512xf32>
    %reduce_max3A_105 = vector.multi_reduction <maximumf>, %select_n3A_103, %reduce_max3A_104 [1] : vector<512x4096xf32> to vector<512xf32>
    %broadcast_in_dim3A_106 = vector.shape_cast %reduce_max3A_105 : vector<512xf32> to vector<512x1xf32>
    %eq3A_107 = vector.broadcast %broadcast_in_dim3A_106 : vector<512x1xf32> to vector<512x4096xf32>
    %eq3A_108 = arith.cmpf oeq, %select_n3A_103, %eq3A_107 : vector<512x4096xf32>
    %jit3A_109 = arith.constant 4096 : i32
    %broadcast_in_dim3A_110 = vector.broadcast %jit3A_109 : i32 to vector<512x4096xi32>
    %select_n3A_111 = arith.select %eq3A_108, %iota3A, %broadcast_in_dim3A_110 : vector<512x4096xi1>, vector<512x4096xi32>
    %reduce_min3A_112 = arith.constant dense<2147483647> : vector<512xi32>
    %reduce_min3A_113 = vector.multi_reduction <minsi>, %select_n3A_111, %reduce_min3A_112 [1] : vector<512x4096xi32> to vector<512xi32>
    %broadcast_in_dim3A_114 = vector.shape_cast %reduce_min3A_113 : vector<512xi32> to vector<512x1xi32>
    %concatenate3A = tpu.concatenate %broadcast_in_dim3A, %broadcast_in_dim3A_22, %broadcast_in_dim3A_36, %broadcast_in_dim3A_50, %broadcast_in_dim3A_64, %broadcast_in_dim3A_78, %broadcast_in_dim3A_92, %broadcast_in_dim3A_106 in 1 : vector<512x1xf32>, vector<512x1xf32>, vector<512x1xf32>, vector<512x1xf32>, vector<512x1xf32>, vector<512x1xf32>, vector<512x1xf32>, vector<512x1xf32> -> vector<512x8xf32>
    %concatenate3A_115 = tpu.concatenate %broadcast_in_dim3A_16, %broadcast_in_dim3A_30, %broadcast_in_dim3A_44, %broadcast_in_dim3A_58, %broadcast_in_dim3A_72, %broadcast_in_dim3A_86, %broadcast_in_dim3A_100, %broadcast_in_dim3A_114 in 1 : vector<512x1xi32>, vector<512x1xi32>, vector<512x1xi32>, vector<512x1xi32>, vector<512x1xi32>, vector<512x1xi32>, vector<512x1xi32>, vector<512x1xi32> -> vector<512x8xi32>
    %slice3A = vector.extract_strided_slice %concatenate3A {offsets = [0, 0], sizes = [512, 1], strides = [1, 1]} : vector<512x8xf32> to vector<512x1xf32>
    %sub3A = vector.broadcast %slice3A : vector<512x1xf32> to vector<512x8xf32>
    %sub3A_116 = arith.subf %concatenate3A, %sub3A : vector<512x8xf32>
    %exp3A = math.exp %sub3A_116 : vector<512x8xf32>
    %reduce_sum3A = arith.constant dense<0.000000e+00> : vector<512xf32>
    %reduce_sum3A_117 = vector.multi_reduction <add>, %exp3A, %reduce_sum3A [1] : vector<512x8xf32> to vector<512xf32>
    %broadcast_in_dim3A_118 = vector.shape_cast %reduce_sum3A_117 : vector<512xf32> to vector<512x1xf32>
    %div3A = vector.broadcast %broadcast_in_dim3A_118 : vector<512x1xf32> to vector<512x8xf32>
    %div3A_119 = arith.divf %exp3A, %div3A : vector<512x8xf32>
    %swap3A = arith.constant 0 : index
    %swap3A_120 = arith.constant 0 : index
    %swap3A_121 = arith.constant 0 : index
    %swap3A_122 = vector.load %arg4[%swap3A, %swap3A_120, %swap3A_121] : memref<1x512x8xf32, #tpu.memory_space<vmem>>, vector<1x512x8xf32>
    %swap3A_123 = vector.shape_cast %swap3A_122 : vector<1x512x8xf32> to vector<512x8xf32>
    %swap3A_124 = vector.shape_cast %div3A_119 : vector<512x8xf32> to vector<1x512x8xf32>
    tpu.vector_store %arg4[%swap3A, %swap3A_120, %swap3A_121], %swap3A_124 {strides = array<i32>} : memref<1x512x8xf32, #tpu.memory_space<vmem>>, vector<1x512x8xf32>,
    %swap3A_125 = arith.constant 0 : index
    %swap3A_126 = arith.constant 0 : index
    %swap3A_127 = arith.constant 0 : index
    %swap3A_128 = vector.load %arg5[%swap3A_125, %swap3A_126, %swap3A_127] : memref<1x512x8xi32, #tpu.memory_space<vmem>>, vector<1x512x8xi32>
    %swap3A_129 = vector.shape_cast %swap3A_128 : vector<1x512x8xi32> to vector<512x8xi32>
    %swap3A_130 = vector.shape_cast %concatenate3A_115 : vector<512x8xi32> to vector<1x512x8xi32>
    tpu.vector_store %arg5[%swap3A_125, %swap3A_126, %swap3A_127], %swap3A_130 {strides = array<i32>} : memref<1x512x8xi32, #tpu.memory_space<vmem>>, vector<1x512x8xi32>,
    return
  }
  func.func @transform_0(%arg0: i32, %arg1: i32) -> (i32, i32, i32) {
    %c0_i32 = arith.constant 0 : i32
    %c0_i32_0 = arith.constant 0 : i32
    return %arg0, %arg1, %c0_i32 : i32, i32, i32
  }
  func.func @transform_1(%arg0: i32, %arg1: i32) -> (i32, i32, i32) {
    %c0_i32 = arith.constant 0 : i32
    %c0_i32_0 = arith.constant 0 : i32
    %c0_i32_1 = arith.constant 0 : i32
    return %arg0, %c0_i32, %c0_i32_0 : i32, i32, i32
  }
  func.func @transform_2(%arg0: i32, %arg1: i32) -> (i32, i32, i32) {
    %c0_i32 = arith.constant 0 : i32
    %c0_i32_0 = arith.constant 0 : i32
    return %arg0, %arg1, %c0_i32 : i32, i32, i32
  }
  func.func @transform_3(%arg0: i32, %arg1: i32) -> (i32, i32, i32) {
    %c0_i32 = arith.constant 0 : i32
    %c0_i32_0 = arith.constant 0 : i32
    return %arg0, %arg1, %c0_i32 : i32, i32, i32
  }
}

</mosaic_0001>

<sc_bundles>
// kernel: kernel.5.cloned.1.call-start
scs
__scs_entry_jumppad:
0x0: {  	(pc) =	sbr.rel $0x88, $3  }
0x1: {  	(tag) =	ssettag $0x0;
	lr =	simm.s32 $0x1  }
0x2: {  	[smem:$0x3F9C] =	sst lr;
	_ =	strace $0xD0000000  }
0x3: {  	_ = 	snop  }
0x4: {  	_ = 	snop  }
0x5: {  	_ = 	snop  }
0x6: {  	_ = 	snop  }
0x7: {  	_ = 	snop  }
__scs_overlays_trampoline_lowered:
0x8: {  	[smem:$0x3FAB] =	sst s0  }
0x9: {  	[smem:$0x3FAC] =	sst s1  }
0xa: {  	[smem:$0x3FAD] =	sst s2  }
0xb: {  	[smem:$0x3FAE] =	sst s3  }
0xc: {  	[smem:$0x3FAF] =	sst s4  }
0xd: {  	[smem:$0x3FB0] =	sst s5  }
0xe: {  	[smem:$0x3FB1] =	sst s6  }
0xf: {  	[smem:$0x3FB2] =	sst s7  }
0x10: {  	[smem:$0x3FB3] =	sst s8  }
0x11: {  	[smem:$0x3FB4] =	sst s9;
	s0 =	simm.s32 @!p0 $0x0  }
0x12: {  	s1 =	sld [smem:$0x3F9A];
	s0 =	simm.s32 @p0 $0x1  }
0x13: {  	[smem:$0x3FB5] =	sst s0;
	s0 =	simm.s32 @!p1 $0x0  }
0x14: {  	s2 =	sld [smem:$0x3F99];
	s0 =	simm.s32 @p1 $0x1  }
0x15: {  	[smem:$0x3FB6] =	sst s0;
	s0 =	simm.s32 @!p2 $0x0  }
0x16: {  	s3 =	sld [smem:$0x3FDB];
	s0 =	simm.s32 @p2 $0x1  }
0x17: {  	s4 =	simm.s32 $0x1BF5;
	[smem:$0x3FB8] =	sst s0  }
0x18: {  	s0 =	sld [smem:$0x3F9B];
	_ =	swait.ge [sflag:s4], $0x0  }
0x19: {  	s7 =	sld [smem:$0x3F9C]  }
0x1a: {  	s8 =	sadd.s32 $0xFFFFE003, lr  }
0x1b: {  	s9 =	sadd.s32 $0xFFFFFEF7, lr;
	s5 =	simm.s32 $0xFFFFFFFF;
	p2 =	slt.u32 s8, $0xFFFFF086  }
0x1c: {  	p1 =	slt.u32 s9, $0xF7A;
	s5 =	simm.s32 @!p2 $0x0  }
0x1d: {  	s5 =	simm.s32 @p1 $0x1;
	p0 =	seq.s32 s7, s2  }
0x1e: {  	s7 =	smul.u32 @!p0 $0xF7A, s2;
	p2 =	seq.s32 @!p0 s5, $0x0  }
0x1f: {  	s9 =	smul.u32 $0xF7A, s1;
	s8 =	simm.s32 @!p0 $0x1BF5;
	p2 =	por !p2, p0  }
0x20: {  	[sflag:s8] =	ssyncset.s32 @!p0 $0xFFFFF086;
	s6 =	sadd.s32 @!p0 s3, s7;
	s7 =	simm.s32 @!p0 $0x108  }
0x21: {  	s3 =	sadd.s32 s3, s9;
	s6 =	sadd.s32 @!p0 $0x88, s6;
	s7 =	simm.s32 @p2 $0x1082  }
0x22: {  	[simem:s7], [sflag:s8] =	dma.local @!p0 [hbm:s6], $0xF7A  }
0x23: {  	s9 =	sor.u32 $0xD0000000, s2;
	s6 =	simm.s32 $0x108;
	_ =	swait.ge @!p0 [sflag:s8], $0x0  }
0x24: {  	s3 =	sadd.s32 $0x88, s3;
	s6 =	simm.s32 @!p1 $0x1082;
	[sflag:s4] =	ssyncset.s32 $0xFFFFF086  }
0x25: {  	[simem:s6], [sflag:s4] =	dma.local [hbm:s3], $0xF7A  }
0x26: {  	[smem:$0x3F9C] =	sst s1;
	(tag) =	ssettag s2;
	_ =	strace s9  }
0x27: {  	s1 =	sld [smem:$0x3FAC]  }
0x28: {  	s2 =	sld [smem:$0x3FAD]  }
0x29: {  	s4 =	sld [smem:$0x3FAF]  }
0x2a: {  	p0 =	seq.s32 s5, $0x0;
	s5 =	sld [smem:$0x3FB0]  }
0x2b: {  	s6 =	sld [smem:$0x3FB1]  }
0x2c: {  	s7 =	sld [smem:$0x3FB2]  }
0x2d: {  	s3 =	simm.s32 $0x108;
	s8 =	sld [smem:$0x3FB3]  }
0x2e: {  	s3 =	simm.s32 @!p0 $0x1082;
	s9 =	sld [smem:$0x3FB4]  }
0x2f: {  	lr =	sadd.s32 s0, s3;
	s0 =	sld [smem:$0x3FAB]  }
0x30: {  	s3 =	sld [smem:$0x3FAE]  }
0x31: {  	[smem:$0x3FB7] =	sst s10  }
0x32: {  	s10 =	sld [smem:$0x3FB5];
	_ =	sdelay $0x3  }
0x33: {  	p0 =	seq.s32 s10, $0x1;
	s10 =	sld [smem:$0x3FB7];
	_ =	sdelay $0x3  }
0x34: {  	[smem:$0x3FB7] =	sst s10  }
0x35: {  	s10 =	sld [smem:$0x3FB6];
	_ =	sdelay $0x3  }
0x36: {  	p1 =	seq.s32 s10, $0x1;
	s10 =	sld [smem:$0x3FB7];
	_ =	sdelay $0x3  }
0x37: {  	[smem:$0x3FB7] =	sst s10  }
0x38: {  	s10 =	sld [smem:$0x3FB8]  }
0x39: {  	_ = 	snop;
	(pc) =	sbr.ind lr, $3  }
0x3a: {  	_ = 	snop  }
0x3b: {  	_ = 	snop  }
0x3c: {  	p2 =	seq.s32 s10, $0x1;
	s10 =	sld [smem:$0x3FB7]  }
0x3d: {  	_ =	shalt  }
0x3e: {  	_ =	shalt  }
0x3f: {  	_ =	shalt  }
0x40: {  	_ =	shalt  }
0x41: {  	_ =	shalt  }
0x42: {  	_ =	shalt  }
0x43: {  	_ =	shalt  }
0x44: {  	_ =	shalt  }
0x45: {  	_ =	shalt  }
0x46: {  	_ =	shalt  }
0x47: {  	_ =	shalt  }
0x48: {  	_ =	shalt  }
0x49: {  	_ =	shalt  }
0x4a: {  	_ =	shalt  }
0x4b: {  	_ =	shalt  }
0x4c: {  	_ =	shalt  }
0x4d: {  	_ =	shalt  }
0x4e: {  	_ =	shalt  }
0x4f: {  	_ =	shalt  }
0x50: {  	_ =	shalt  }
0x51: {  	_ =	shalt  }
0x52: {  	_ =	shalt  }
0x53: {  	_ =	shalt  }
0x54: {  	_ =	shalt  }
0x55: {  	_ =	shalt  }
0x56: {  	_ =	shalt  }
0x57: {  	_ =	shalt  }
0x58: {  	_ =	shalt  }
0x59: {  	_ =	shalt  }
0x5a: {  	_ =	shalt  }
0x5b: {  	_ =	shalt  }
0x5c: {  	_ =	shalt  }
0x5d: {  	_ =	shalt  }
0x5e: {  	_ =	shalt  }
0x5f: {  	_ =	shalt  }
0x60: {  	_ =	shalt  }
0x61: {  	_ =	shalt  }
0x62: {  	_ =	shalt  }
0x63: {  	_ =	shalt  }
0x64: {  	_ =	shalt  }
0x65: {  	_ =	shalt  }
0x66: {  	_ =	shalt  }
0x67: {  	_ =	shalt  }
0x68: {  	_ =	shalt  }
0x69: {  	_ =	shalt  }
0x6a: {  	_ =	shalt  }
0x6b: {  	_ =	shalt  }
0x6c: {  	_ =	shalt  }
0x6d: {  	_ =	shalt  }
0x6e: {  	_ =	shalt  }
0x6f: {  	_ =	shalt  }
0x70: {  	_ =	shalt  }
0x71: {  	_ =	shalt  }
0x72: {  	_ =	shalt  }
0x73: {  	_ =	shalt  }
0x74: {  	_ =	shalt  }
0x75: {  	_ =	shalt  }
0x76: {  	_ =	shalt  }
0x77: {  	_ =	shalt  }
0x78: {  	_ =	shalt  }
0x79: {  	_ =	shalt  }
0x7a: {  	_ =	shalt  }
0x7b: {  	_ =	shalt  }
0x7c: {  	_ =	shalt  }
0x7d: {  	_ =	shalt  }
0x7e: {  	_ =	shalt  }
0x7f: {  	_ =	shalt  }
0x80: {  	_ =	shalt  }
0x81: {  	_ =	shalt  }
0x82: {  	_ =	shalt  }
0x83: {  	_ =	shalt  }
0x84: {  	_ =	shalt  }
0x85: {  	_ =	shalt  }
0x86: {  	_ =	shalt  }
0x87: {  	_ =	shalt  }
.Lfunc_end0:
.L_simem_size_0:
called_computation_lowered:
.L_overlay_start_0:
0x88: {  	s2 =	sld [smem:$0x3FD9]  }
0x89: {  	s3 =	sld [smem:$0x3FFE];
	_ =	sdelay $0x1  }
0x8a: {  	s1 =	srdreg.scid  }
0x8b: {  	s0 =	sand.u32 $0x1, s1  }
0x8c: {  	s17 =	sshll.u32 s0, $0xA;
	s2 =	sadd.s32 s3, s2  }
0x8d: {  	s2 =	sadd.s32 s2, s17  }
0x8e: {  	[smem:$0x3FC3] =	sst s2  }
0x8f: {  	_ = 	snop  }
0x90: {  	s2 =	sld [smem:$0x3FD0];
	(tm) =	ssettm $0x1  }
0x91: {  	s18 =	sld [smem:$0x3FFB];
	_ =	sdelay $0x3  }
0x92: {  	_ =	strace s18  }
0x93: {  	s3 =	sld [smem:$0x3FFC];
	_ =	sdelay $0x3  }
0x94: {  	_ =	strace s3  }
0x95: {  	s3 =	sld [smem:$0x3FFD];
	_ =	sdelay $0x3  }
0x96: {  	_ =	strace s3  }
0x97: {  	_ =	strace $0x8FFFFFFF  }
0x98: {  	s19 =	sld [smem:$0x3FDB];
	_ =	sdelay $0x1  }
0x99: {  	s4 =	simm.s32 $_scs_section_size  }
0x9a: {  	s5 =	simm.s32 $_size__tile_overlayer_lowered;
	s6 =	simm.s32 $_tile_overlayer_lowered  }
0x9b: {  	s22 =	simm.s32 $0x1BFF;
	s21 =	sshll.u32 s6, $0x1;
	s3 =	sadd.s32 s4, s19  }
0x9c: {  	s7 =	simm.s32 $0x0;
	s20 =	sshll.u32 s5, $0x1;
	s5 =	sadd.s32 s21, s3  }
0x9d: {  	[timem:s7], [sflag:s22] =	dma.local [hbm:s5], s20  }
0x9e: {  	_ =	swait.ge [sflag:s22], s20  }
0x9f: {  	s4 =	ssub.s32 $0x0, s20;
	[sflag:s22] =	ssyncset.done $0x0  }
0xa0: {  	[sflag:s22] =	ssyncadd.s32 s4;
	_ =	sdelay $0x1  }
0xa1: {  	s23 =	simm.s32 $0x1B8B  }
0xa2: {  	_ =	swait.ge [sflag:s23], $0x1  }
0xa3: {  	[sflag:s23] =	ssyncset.done $0x0  }
0xa4: {  	s25 =	simm.s32 $0x1B8E;
	s24 =	sld [smem:$0x3FFE];
	[sflag:s23] =	ssyncadd.s32 $0xFFFFFFFF  }
0xa5: {  	s26 =	simm.s32 $execute0_lowered;
	[smem:$0x3FD2] =	sst s25  }
0xa6: {  	s5 =	sshll.u32 s26, $0x1;
	_ =	strace $0x80000046;
	[dreg:$0x1] =	wrdreg $0xFFFFFFFF  }
0xa7: {  	s28 =	simm.s32 $_size_execute0_lowered;
	s3 =	sadd.s32 s3, s5;
	[dreg:$0x0] =	wrdreg $0x0  }
0xa8: {  	s5 =	sshll.u32 s28, $0x1;
	[dreg:$0x2] =	wrdreg s3  }
0xa9: {  	[dreg:$0x3] =	wrdreg s5  }
0xaa: {  	[dreg:$0x4] =	wrdreg $0xC0  }
0xab: {  	_ =	task [dreg:s7], $0x5FFFF  }
0xac: {  	[dreg:$0x1] =	wrdreg $0xFFFFFFFF  }
0xad: {  	[dreg:$0x0] =	wrdreg $0x60  }
0xae: {  	[dreg:$0x2] =	wrdreg s24  }
0xaf: {  	[dreg:$0x3] =	wrdreg s2  }
0xb0: {  	[dreg:$0x4] =	wrdreg $0x9  }
0xb1: {  	_ =	task.clear_ibuf [dreg:s7], $0x5FFFF;
	_ =	strace $0x90000046  }
0xb2: {  	s29 =	simm.s32 $0x9;
	_ =	strace $0x80000048  }
0xb3: {  	_ =	swait.ge [sflag:s29], $0x1  }
0xb4: {  	[sflag:s29] =	ssyncadd.s32 $0xFFFFFFFF  }
0xb5: {  	_ =	strace $0x90000048  }
0xb6: {  	_ =	sfence  }
0xb7: {  	s30 =	sld [smem:$0x0];
	_ =	sdelay $0x2  }
0xb8: {  	s31 =	sshll.u32 s1, $0xD;
	s1 =	sshrl.u32 s1, $0x2  }
0xb9: {  	s3 =	sand.u32 $0x4000, s31;
	s1 =	sadd.s32 s1, s30  }
0xba: {  	s0 =	sor.u32 s3, s0;
	s1 =	sshll.u32 s1, $0x11  }
0xbb: {  	s0 =	sor.u32 s1, s0  }
0xbc: {  	s0 =	sadd.s32 $0x8F2B, s0  }
0xbd: {  	[sflag:s0] =	ssyncadd.remote.s32 $0x1  }
0xbe: {  	_ =	sfence.sel $0xFFFF  }
0xbf: {  	[dreg:$0x0] =	wrdreg $0xFFFFFFFF;
	(pc) =	sbr.abs _section_cstart, $3  }
0xc0: {  	[dreg:$0x1] =	wrdreg $0xFFFFFFFF  }
0xc1: {  	_ =	task.clear_ibuf [dreg:s7], $0x2FFFF;
	_ =	strace $0x9FFFFFFF  }
0xc2: {  	(tm) =	ssettm $0x7FFFFFFF  }
0xc3: {  	_ =	shalt  }
tec
execute0_lowered:
.L_overlay_start_1:
0x0: {  	(tag) =	ssettag $0x1  }
0x1: {  	s3 =	rddreg [dreg:$0x0]  }
0x2: {  	s6 =	rddreg [dreg:$0x1]  }
0x3: {  	s0 =	rddreg [dreg:$0x2];
	s4 =	srdreg.scid  }
0x4: {  	s2 =	simm.s32 $0x0;
	s1 =	stileid.u32;
	s9 =	simm.s32 $0x1000  }
0x5: {  	s10 =	simm.s32 $0x1;
	s11 =	simm.s32 $0x0;
	s7 =	sand.u32 $0x1, s4  }
0x6: {  	s29 =	sshll.u32 s1, $0x9;
	[smem:$0x7FF] =	sst s2;
	s31 =	sshll.u32 s1, $0x12  }
0x7: {  	v0 =	vlaneseq.u32;
	s5 =	sshll.u32 s7, $0x8;
	s8 =	ssub.s32 $0x2, s7;
	_ =	strace $0x80000047  }
0x8: {  	v0 =	vshrl.u32 v0, $0x3;
	s6 =	sadd.s32 s31, s6;
	s7 =	sshll.u32 s7, $0x11;
	s4 =	sor.u32 s5, s29  }
0x9: {  	v0 =	vmul.u32 $0x80, v0;
	s30 =	sshrl.u32 s8, $0x1;
	s6 =	sadd.s32 s7, s6;
	s7 =	simm.s32 $0x2  }
0xa: {  	v1 =	vimm.f32 $0.0e+00;
	s4 =	sadd.s32 s4, s3;
	s5 =	ssub.s32 s8, s30;
	s8 =	simm.s32 $0x800  }
0xb: {  	v2 =	vor.u32 $0x100, v0;
	v3 =	vor.u32 $0x200, v0;
	v4 =	vor.u32 $0x300, v0;
	s3 =	sadd.s32 $0x3200, s4;
	s4 =	sadd.s32 $0x1200, s4;
	s5 =	smax.u32 s5, $0x1  }
.LBB2_1:
0xc: {  	[tilespmem:s2], [sflag:$0x2] =	stream.linear.gather [hbm4b:s3+s2], $0x800, $0x38;
	[tilespmem:$0x9000] =	vst v63  }
0xd: {  	_ =	swait.ge [sflag:s7], $0x800  }
0xe: {  	[sflag:s7] =	ssyncset.done $0x0  }
0xf: {  	[sflag:s7] =	ssyncadd.s32 $0xFFFFF800  }
0x10: {  	[tilespmem:s8], [sflag:$0x2] =	stream.linear.gather [hbm4b:s4+s2], $0x800, $0x38;
	[tilespmem:$0x9000] =	vst v63  }
0x11: {  	_ =	swait.ge [sflag:s7], $0x800  }
0x12: {  	[sflag:s7] =	ssyncset.done $0x0  }
0x13: {  	s12 =	simm.s32 $0x0;
	s13 =	simm.s32 $0x0;
	[sflag:s7] =	ssyncadd.s32 $0xFFFFF800  }
.LBB2_2:
0x14: {  	p0 =	sne.s32 s13, $0x7FF  }
.Ltmp0:
0x15: {  	s14 =	sshll.u32 s13, $0x4;
	(pc) =	sbr.rel @p0 .LBB2_2-.Ltmp0, $4  }
0x16: {  	s15 =	sshll.u32 s13, $0x1;
	s16 =	sand.u32 $0x380, s12;
	s14 =	sand.u32 $0x7C00, s14  }
0x17: {  	s15 =	sand.u32 $0x70, s15;
	s14 =	sor.u32 s16, s14  }
0x18: {  	s14 =	sor.u32 s15, s14  }
0x19: {  	s12 =	sadd.s32 $0x80, s12;
	s13 =	sadd.s32 $0x1, s13;
	[tilespmem:s14+$0x1000] =	vst v1  }
0x1a: {  	s12 =	simm.s32 $0x0;
	s13 =	smov.u32 s6  }
.LBB2_4:
0x1b: {  	p0 =	seq.s32 s12, $0x0  }
0x1c: {  	s14 =	sshra.s32 @!p0 s12, $0x2  }
0x1d: {  	v5 =	vld @!p0 [tilespmem:s14+$0xFFFFFFC0];
	_ =	sdelay $0x3  }
0x1e: {  	v6 =	vlaneseq.u32 @!p0  }
0x1f: {  	v6 =	vshrl.u32 @!p0 v6, $0x3;
	v7 =	vshll.u32 @!p0 v5, $0x3  }
0x20: {  	v6 =	vmul.u32 @!p0 $0x80, v6;
	v5 =	vand.u32 @!p0 $0x7F, v5;
	v7 =	vand.u32 @!p0 $0xFFFFFC00, v7  }
0x21: {  	v5 =	vor.u32 @!p0 v7, v5  }
0x22: {  	v5 =	vor.u32 @!p0 v6, v5;
	_ =	sdelay $0x3  }
0x23: {  	s15 =	simm.s32 @!p0 $0x1000;
	v7 =	vimm.f32 @!p0 $0.0e+00  }
0x24: {  	[tilespmem:v5+s15+$0x0] =	vst.idx.msk @!p0 $0xffff, v7  }
0x25: {  	v5 =	vld @!p0 [tilespmem:s14+$0xFFFFFFD0];
	_ =	sdelay $0x4  }
0x26: {  	v8 =	vshll.u32 @!p0 v5, $0x3  }
0x27: {  	v5 =	vand.u32 @!p0 $0x7F, v5;
	v8 =	vand.u32 @!p0 $0xFFFFFC00, v8  }
0x28: {  	v5 =	vor.u32 @!p0 v8, v5;
	v8 =	vor.u32 @!p0 $0x100, v6  }
0x29: {  	v5 =	vor.u32 @!p0 v8, v5;
	_ =	sdelay $0x4  }
0x2a: {  	[tilespmem:v5+s15+$0x0] =	vst.idx.msk @!p0 $0xffff, v7  }
0x2b: {  	v5 =	vld @!p0 [tilespmem:s14+$0xFFFFFFE0];
	_ =	sdelay $0x4  }
0x2c: {  	v8 =	vshll.u32 @!p0 v5, $0x3  }
0x2d: {  	v5 =	vand.u32 @!p0 $0x7F, v5;
	v8 =	vand.u32 @!p0 $0xFFFFFC00, v8  }
0x2e: {  	v5 =	vor.u32 @!p0 v8, v5;
	v8 =	vor.u32 @!p0 $0x200, v6  }
0x2f: {  	v5 =	vor.u32 @!p0 v8, v5;
	_ =	sdelay $0x4  }
0x30: {  	[tilespmem:v5+s15+$0x0] =	vst.idx.msk @!p0 $0xffff, v7  }
0x31: {  	v5 =	vld @!p0 [tilespmem:s14+$0xFFFFFFF0];
	_ =	sdelay $0x4  }
0x32: {  	v8 =	vshll.u32 @!p0 v5, $0x3  }
0x33: {  	v5 =	vand.u32 @!p0 $0x7F, v5;
	v8 =	vand.u32 @!p0 $0xFFFFFC00, v8  }
0x34: {  	v6 =	vor.u32 @!p0 $0x300, v6;
	v5 =	vor.u32 @!p0 v8, v5  }
0x35: {  	v5 =	vor.u32 @!p0 v6, v5;
	_ =	sdelay $0x4  }
0x36: {  	[tilespmem:v5+s15+$0x0] =	vst.idx.msk @!p0 $0xffff, v7  }
0x37: {  	s31 =	sshra.s32 s12, $0x2;
	[bflag:$0x0] =	sbarrier.arrive $0xFFFF  }
0x38: {  	v5 =	vld [tilespmem:s31+$0x0];
	_ =	sdelay $0x4  }
0x39: {  	v6 =	vshll.u32 v5, $0x3  }
0x3a: {  	v5 =	vand.u32 $0x7F, v5;
	v6 =	vand.u32 $0xFFFFFC00, v6  }
0x3b: {  	v5 =	vor.u32 v6, v5  }
0x3c: {  	v6 =	vld [tilespmem:s31+$0x800];
	v5 =	vor.u32 v0, v5;
	_ =	sdelay $0x4  }
0x3d: {  	[tilespmem:v5+s9+$0x0] =	vst.idx.msk $0xffff, v6  }
0x3e: {  	v5 =	vld [tilespmem:s31+$0x10];
	_ =	sdelay $0x4  }
0x3f: {  	v6 =	vshll.u32 v5, $0x3  }
0x40: {  	v5 =	vand.u32 $0x7F, v5;
	v6 =	vand.u32 $0xFFFFFC00, v6  }
0x41: {  	v5 =	vor.u32 v6, v5  }
0x42: {  	v6 =	vld [tilespmem:s31+$0x810];
	v5 =	vor.u32 v2, v5;
	_ =	sdelay $0x4  }
0x43: {  	[tilespmem:v5+s9+$0x0] =	vst.idx.msk $0xffff, v6  }
0x44: {  	v5 =	vld [tilespmem:s31+$0x20];
	_ =	sdelay $0x4  }
0x45: {  	v6 =	vshll.u32 v5, $0x3  }
0x46: {  	v5 =	vand.u32 $0x7F, v5;
	v6 =	vand.u32 $0xFFFFFC00, v6  }
0x47: {  	v5 =	vor.u32 v6, v5  }
0x48: {  	v6 =	vld [tilespmem:s31+$0x820];
	v5 =	vor.u32 v3, v5;
	_ =	sdelay $0x4  }
0x49: {  	[tilespmem:v5+s9+$0x0] =	vst.idx.msk $0xffff, v6  }
0x4a: {  	v5 =	vld [tilespmem:s31+$0x30];
	_ =	sdelay $0x4  }
0x4b: {  	v6 =	vshll.u32 v5, $0x3  }
0x4c: {  	v5 =	vand.u32 $0x7F, v5;
	v6 =	vand.u32 $0xFFFFFC00, v6  }
0x4d: {  	v5 =	vor.u32 v6, v5  }
0x4e: {  	v6 =	vld [tilespmem:s31+$0x830];
	v5 =	vor.u32 v4, v5;
	_ =	sdelay $0x3  }
0x4f: {  	s12 =	sadd.s32 $0x100, s12  }
0x50: {  	p0 =	sne.s32 s12, $0x2000;
	[tilespmem:v5+s9+$0x0] =	vst.idx.msk $0xffff, v6  }
.Ltmp1:
0x51: {  	[bflag:$0x0] =	sbarrier.arrive $0xFFFF;
	(pc) =	sbr.rel @p0 .LBB2_4-.Ltmp1, $4  }
0x52: {  	[hbm4b:s13+s2] =	stream.linear.scatter [tilespmem:s9], [sflag:$0x1], $0x8000, $0x38;
	[tilespmem:$0x9000] =	vst v63  }
0x53: {  	_ =	swait.ge [sflag:s10], $0x8000  }
0x54: {  	[sflag:s10] =	ssyncset.done $0x0  }
0x55: {  	s13 =	sadd.s32 $0x1000, s13;
	[sflag:s10] =	ssyncadd.s32 $0xFFFF8000  }
0x56: {  	s11 =	sadd.s32 $0x1, s11  }
0x57: {  	p0 =	sne.s32 s11, s5  }
.Ltmp2:
0x58: {  	_ = 	snop;
	(pc) =	sbr.rel @p0 .LBB2_1-.Ltmp2, $1  }
0x59: {  	_ =	sdelay $0x3  }
0x5a: {  	_ =	sfence.sel $0x180000  }
0x5b: {  	[bflag:$0x0] =	sbarrier.arrive $0xFFFF  }
0x5c: {  	p0 =	sne.s32 s1, $0x0;
	_ =	strace $0x90000047  }
0x5d: {  	s0 =	sadd.s32 @!p0 $0x100000, s0;
	[bflag:$0x2] =	sbarrier.arrive $0xFFFF  }
0x5e: {  	[sflag:s0] =	ssyncadd.tile.s32 @!p0 $0x1;
	_ =	shalt  }
.Lfunc_end2:
_tile_overlayer_lowered:
.L_overlay_start_2:
0x5f: {  	(tag) =	ssettag $0x2  }
0x60: {  	s0 =	rddreg [dreg:$0x0];
	s2 =	stileid.u32  }
0x61: {  	s1 =	rddreg [dreg:$0x1];
	p0 =	sne.s32 s2, $0x0  }
0x62: {  	s3 =	rddreg [dreg:$0x2];
	[bflag:$0x3] =	sbarrier.arrive $0xFFFF;
	s2 =	simm.s32 @!p0 $0x1C02  }
0x63: {  	[timem:s3], [sflag:s2] =	dma.local @!p0 [hbm:s0], s1  }
0x64: {  	s0 =	simm.s32 @!p0 $0x2  }
0x65: {  	_ =	swait.ge @!p0 [sflag:s0], s1  }
0x66: {  	s1 =	ssub.s32 @!p0 $0x0, s1;
	[sflag:s0] =	ssyncset.done @!p0 $0x0  }
0x67: {  	[sflag:s0] =	ssyncadd.s32 @!p0 s1  }
0x68: {  	[bflag:$0x3] =	sbarrier.arrive $0xFFFF  }
0x69: {  	_ =	shalt  }

</sc_bundles>
